<compile_context>
chip_gen: v7x
topology: tpu7x:2x2x1
jax: 0.10.2.dev20260603
libtpu: 0.0.44.dev20260713+nightly
codegen_flags: <defaults>
</compile_context>

<pallas_src>
import functools

import jax
import jax.numpy as jnp
import numpy as np
from jax import lax
from jax.experimental import pallas as pl
from jax.experimental.pallas import tpu as pltpu
from jax.experimental.pallas import tpu_sc as plsc

_FEATURE_DIMS = [100000] * 26
_NUM_FIELDS = 26
_FP = 32
_D = 16
_B = 16384
_BF = _B * _FP
_EMB_PAD = _FP * _D
_EMBED_OUT = _NUM_FIELDS * _D
_V = 2600000
_OFFS = np.array((0,) + tuple(np.cumsum(_FEATURE_DIMS)[:-1]), dtype=np.int32)

_NC = 2
_NS = 16
_NW = _NC * _NS
_PER_W = _BF // _NW
_CH = 128
_SPC = _CH // _FP
_NCH = _PER_W // _CH
_SAMP_W = _B // _NW

_S_MAT = np.zeros((_EMB_PAD, _D), dtype=np.float32)
for _k in range(_EMBED_OUT):
    _S_MAT[_k, _k % _D] = 1.0


def _sc_gather(idx_grp, emb_rm, lin_flat):
    mesh = plsc.VectorSubcoreMesh(
        core_axis_name="c", subcore_axis_name="s",
        num_cores=_NC, num_subcores=_NS)

    @functools.partial(
        pl.kernel,
        out_type=[
            jax.ShapeDtypeStruct((_BF, _D), jnp.float32),
            jax.ShapeDtypeStruct((_B,), jnp.float32),
        ],
        mesh=mesh,
        scratch_types=[
            pltpu.VMEM((_NCH, _CH), jnp.int32),
            pltpu.VMEM((2, _CH, _D), jnp.float32),
            pltpu.VMEM((2, _CH), jnp.float32),
            pltpu.VMEM((_SAMP_W,), jnp.float32),
            pltpu.SemaphoreType.DMA,
            pltpu.SemaphoreType.DMA,
            pltpu.SemaphoreType.DMA,
        ],
        compiler_params=pltpu.CompilerParams(
            use_tc_tiling_on_sc=False, needs_layout_passes=False),
    )
    def body(idx_hbm, emb_hbm, lin_hbm, emb_out, lsum_out,
             idx_v, ebuf, lbuf, acc, sem_e, sem_l, sem_o):
        wid = lax.axis_index("s") * _NC + lax.axis_index("c")
        base = wid * _PER_W
        sbase = wid * _SAMP_W
        pltpu.sync_copy(idx_hbm.at[wid], idx_v)
        tail_mask = lax.iota(jnp.int32, 16) < (_NUM_FIELDS - _D)

        def fire(j, slot):
            pltpu.async_copy(emb_hbm.at[idx_v.at[j]], ebuf.at[slot], sem_e)
            pltpu.async_copy(lin_hbm.at[idx_v.at[j]], lbuf.at[slot], sem_l)

        def drain(j, slot):
            pltpu.make_async_copy(
                emb_hbm.at[idx_v.at[j]], ebuf.at[slot], sem_e).wait()
            pltpu.make_async_copy(
                lin_hbm.at[idx_v.at[j]], lbuf.at[slot], sem_l).wait()

        lane_vec = lax.iota(jnp.int32, 16)

        def process(j, slot, accv):
            pltpu.async_copy(
                ebuf.at[slot], emb_out.at[pl.ds(base + j * _CH, _CH)], sem_o)
            for g in range(_SPC):
                v0 = lbuf[slot, pl.ds(g * _FP, _D)]
                v1 = lbuf[slot, pl.ds(g * _FP + _D, _D)]
                v1 = jnp.where(tail_mask, v1, 0.0)
                s = lax.reduce_sum(v0, (0,)) + lax.reduce_sum(v1, (0,))
                lane_k = lax.rem(j, 4) * _SPC + g
                accv = jnp.where(lane_vec == lane_k, s, accv)

            @pl.when(lax.rem(j, 4) == 3)
            def _():
                acc[pl.ds(lax.div(j, 4) * 16, 16)] = accv

            return accv

        def drain_out(j, slot):
            pltpu.make_async_copy(
                ebuf.at[slot], emb_out.at[pl.ds(base + j * _CH, _CH)],
                sem_o).wait()

        fire(0, 0)

        def step(j, accv):
            slot = lax.rem(j, 2)
            nslot = lax.rem(j + 1, 2)

            @pl.when(j >= 1)
            def _():
                drain_out(j - 1, nslot)

            @pl.when(j + 1 < _NCH)
            def _():
                fire(j + 1, nslot)

            drain(j, slot)
            return process(j, slot, accv)

        lax.fori_loop(0, _NCH, step, jnp.zeros((16,), jnp.float32))
        drain_out(_NCH - 1, (_NCH - 1) % 2)
        pltpu.sync_copy(acc, lsum_out.at[pl.ds(sbase, _SAMP_W)])

    return body(idx_grp, emb_rm, lin_flat)


_TC_BLK = 256


def _tc_body(emb_ref, lsum_ref, w1_ref, b1_ref, w2_ref, b2_ref, w3_ref,
             s_ref, c_ref, out_ref):
    emb = emb_ref[...]
    sm = s_ref[...]
    se = jnp.dot(emb, sm, preferred_element_type=jnp.float32)
    ss = jnp.dot(emb * emb, sm, preferred_element_type=jnp.float32)
    fm = 0.5 * jnp.sum(se * se - ss, axis=1)
    h = jnp.maximum(
        jnp.dot(emb, w1_ref[...], preferred_element_type=jnp.float32)
        + b1_ref[...], 0.0)
    h = jnp.maximum(
        jnp.dot(h, w2_ref[...], preferred_element_type=jnp.float32)
        + b2_ref[...], 0.0)
    mlp = jnp.sum(h * w3_ref[...], axis=1)
    out_ref[...] = jax.nn.sigmoid(lsum_ref[...] + fm + mlp + c_ref[0])


def _tc_deepfm(emb_flat, lin_sum, W1p, b1, W2, b2, w3_row, const1):
    nblk = _B // _TC_BLK
    return pl.pallas_call(
        _tc_body,
        grid=(nblk,),
        in_specs=[
            pl.BlockSpec((_TC_BLK, _EMB_PAD), lambda i: (i, 0)),
            pl.BlockSpec((_TC_BLK,), lambda i: (i,)),
            pl.BlockSpec((_EMB_PAD, 400), lambda i: (0, 0)),
            pl.BlockSpec((400,), lambda i: (0,)),
            pl.BlockSpec((400, 400), lambda i: (0, 0)),
            pl.BlockSpec((400,), lambda i: (0,)),
            pl.BlockSpec((1, 400), lambda i: (0, 0)),
            pl.BlockSpec((_EMB_PAD, _D), lambda i: (0, 0)),
            pl.BlockSpec((1,), lambda i: (0,)),
        ],
        out_specs=pl.BlockSpec((_TC_BLK,), lambda i: (i,)),
        out_shape=jax.ShapeDtypeStruct((_B,), jnp.float32),
    )(emb_flat, lin_sum, W1p, b1, W2, b2, w3_row, _S_MAT, const1)


def kernel(x, emb_table, lin_table, lin_bias, W1, b1, W2, b2, W3, b3):
    idx2d = x.astype(jnp.int32) + _OFFS[None, :]
    idxp = jnp.pad(idx2d, ((0, 0), (0, _FP - _NUM_FIELDS)), mode="wrap")
    idx_grp = idxp.reshape(_NW, _NCH, _CH)
    lin_flat = jnp.sum(lin_table, axis=1)
    emb_rows, lin_sum = _sc_gather(idx_grp, emb_table, lin_flat)
    emb_flat = emb_rows.reshape(_B, _EMB_PAD)
    W1p = jnp.concatenate(
        [W1, jnp.zeros((_EMB_PAD - _EMBED_OUT, 400), jnp.float32)], axis=0)
    const1 = (lin_bias + b3).astype(jnp.float32)
    return _tc_deepfm(emb_flat, lin_sum, W1p, b1, W2, b2,
                      W3.reshape(1, 400), const1)

# --- scband reference (transcript-rebuilt; emitter-appended) ---
"""Pipeline reference for scband-deep-fm-66176856096909 (READ-ONLY COPY).

The authoritative reference and input builder live on the scoring server;
editing this copy changes nothing except your own understanding.
"""

import jax, jax.numpy as jnp
import numpy as np

FEATURE_DIMS = [100000] * 26
EMBED_DIM = 16
MLP_DIMS = [400, 400]
NUM_FIELDS = len(FEATURE_DIMS)
TOTAL_ROWS = int(np.sum(FEATURE_DIMS))
EMBED_OUT = NUM_FIELDS * EMBED_DIM
OFFSETS = jnp.asarray(np.array((0,) + tuple(np.cumsum(FEATURE_DIMS)[:-1]), dtype=np.int64))


def setup_inputs(seed: int = 0) -> dict:
    key = jax.random.key(seed)
    ks = jax.random.split(key, 10)
    x = jax.random.randint(ks[0], (16384, 26), 0, 100000, dtype=jnp.int64)
    emb_table = jax.random.normal(ks[1], (TOTAL_ROWS, EMBED_DIM), dtype=jnp.float32) * 0.01
    lin_table = jax.random.normal(ks[2], (TOTAL_ROWS, 1), dtype=jnp.float32) * 0.01
    lin_bias = jnp.zeros((1,), dtype=jnp.float32)
    W1 = jax.random.normal(ks[3], (EMBED_OUT, MLP_DIMS[0]), dtype=jnp.float32) * (1.0 / np.sqrt(EMBED_OUT))
    b1 = jnp.zeros((MLP_DIMS[0],), dtype=jnp.float32)
    W2 = jax.random.normal(ks[4], (MLP_DIMS[0], MLP_DIMS[1]), dtype=jnp.float32) * (1.0 / np.sqrt(MLP_DIMS[0]))
    b2 = jnp.zeros((MLP_DIMS[1],), dtype=jnp.float32)
    W3 = jax.random.normal(ks[5], (MLP_DIMS[1], 1), dtype=jnp.float32) * (1.0 / np.sqrt(MLP_DIMS[1]))
    b3 = jnp.zeros((1,), dtype=jnp.float32)
    return {"x": x, "emb_table": emb_table, "lin_table": lin_table, "lin_bias": lin_bias,
            "W1": W1, "b1": b1, "W2": W2, "b2": b2, "W3": W3, "b3": b3}


def reference(x, emb_table, lin_table, lin_bias, W1, b1, W2, b2, W3, b3):
    idx = x + OFFSETS[None, :]                     # (B, F) global indices into shared table
    x_embed = jnp.take(emb_table, idx, axis=0)     # (B, F, D)
    # FeaturesLinear: sum of per-feature scalar weights + bias -> (B, 1)
    linear = jnp.sum(jnp.take(lin_table, idx, axis=0), axis=1) + lin_bias
    # FactorizationMachine with reduce_sum=True -> (B, 1)
    sum_of_emb = jnp.sum(x_embed, axis=1)          # (B, D)
    square_of_sum = sum_of_emb * sum_of_emb
    sum_of_square = jnp.sum(x_embed * x_embed, axis=1)
    fm = 0.5 * jnp.sum(square_of_sum - sum_of_square, axis=1, keepdims=True)
    # MLP on flattened embeddings (dropout=0.0, eval mode -> identity)
    h = x_embed.reshape(-1, EMBED_OUT)
    h = jax.nn.relu(h @ W1 + b1)
    h = jax.nn.relu(h @ W2 + b2)
    mlp_out = h @ W3 + b3                          # (B, 1)
    logit = linear + fm + mlp_out                  # (B, 1)
    return jax.nn.sigmoid(jnp.squeeze(logit, axis=1))  # (B,)

if __name__ == "__main__":
    import jax
    _d = setup_inputs()
    print(jax.jit(kernel)(*tuple(_d.values())))

</pallas_src>

<mosaic_0001>
#map = affine_map<(d0, d1) -> (0, 0, 0)>
#map1 = affine_map<(d0, d1) -> (0, 0)>
#map2 = affine_map<(d0, d1) -> (0)>
module attributes {stable_mosaic.version = 14 : i64} {
  func.func @body(%arg0: i32, %arg1: i32, %arg2: memref<32x128x128xi32, #tpu.memory_space<hbm>>, %arg3: memref<2600000x16xf32, #tpu.memory_space<hbm>>, %arg4: memref<2600000xf32, #tpu.memory_space<hbm>>, %arg5: memref<524288x16xf32, #tpu.memory_space<hbm>>, %arg6: memref<16384xf32, #tpu.memory_space<hbm>>, %arg7: memref<128x128xi32, #tpu.memory_space<vmem>>, %arg8: memref<2x128x16xf32, #tpu.memory_space<vmem>>, %arg9: memref<2x128xf32, #tpu.memory_space<vmem>>, %arg10: memref<512xf32, #tpu.memory_space<vmem>>, %arg11: memref<!tpu.dma_semaphore, #tpu.memory_space<semaphore_mem>>, %arg12: memref<!tpu.dma_semaphore, #tpu.memory_space<semaphore_mem>>, %arg13: memref<!tpu.dma_semaphore, #tpu.memory_space<semaphore_mem>>) attributes {dimension_semantics = [#tpu.dimension_semantics<core_parallel>, #tpu.dimension_semantics<subcore_parallel>], iteration_bounds = array<i64: 2, 16>, scalar_prefetch = 0 : i64, scratch_operands = 7 : i64, tpu.core_type = #tpu.core_type<sc_vector_subcore>, window_params = [{transform_indices = #map}, {transform_indices = #map1}, {transform_indices = #map2}, {transform_indices = #map1}, {transform_indices = #map2}]} {
    %mul3A = arith.constant 2 : i32
    %mul3A_0 = arith.muli %arg1, %mul3A : i32
    %add3A = arith.addi %mul3A_0, %arg0 : i32
    %mul3A_1 = arith.constant 16384 : i32
    %mul3A_2 = arith.muli %add3A, %mul3A_1 : i32
    %mul3A_3 = arith.constant 512 : i32
    %mul3A_4 = arith.muli %add3A, %mul3A_3 : i32
    "tpu.region"() ({
      %run_scoped3A = tpu.sem_alloc : memref<!tpu.dma_semaphore, #tpu.memory_space<semaphore_mem>>
      %dma_start3A_49 = arith.constant 0 : i32
      %dma_start3A_50 = arith.constant 0 : i32
      %dma_start3A_51 = tpu.memref_slice %arg2[%add3A, %dma_start3A_49, %dma_start3A_50] : memref<32x128x128xi32, #tpu.memory_space<hbm>> -> memref<1x128x128xi32, #tpu.memory_space<hbm>>
      %dma_start3A_52 = tpu.memref_squeeze %dma_start3A_51 : memref<1x128x128xi32, #tpu.memory_space<hbm>> -> memref<128x128xi32, #tpu.memory_space<hbm>>
      %dma_start3A_53 = arith.constant 0 : i32
      %dma_start3A_54 = arith.constant 0 : i32
      %dma_start3A_55 = tpu.memref_slice %arg2[%add3A, %dma_start3A_53, %dma_start3A_54] : memref<32x128x128xi32, #tpu.memory_space<hbm>> -> memref<1x128x128xi32, #tpu.memory_space<hbm>>
      %dma_start3A_56 = tpu.memref_squeeze %dma_start3A_55 : memref<1x128x128xi32, #tpu.memory_space<hbm>> -> memref<128x128xi32, #tpu.memory_space<hbm>>
      tpu.enqueue_dma source(%dma_start3A_56 : memref<128x128xi32, #tpu.memory_space<hbm>>) target(%arg7 : memref<128x128xi32, #tpu.memory_space<vmem>>) target_semaphore(%run_scoped3A : memref<!tpu.dma_semaphore, #tpu.memory_space<semaphore_mem>>)
      %dma_wait3A_57 = arith.constant 0 : i32
      %dma_wait3A_58 = arith.constant 0 : i32
      %dma_wait3A_59 = tpu.memref_slice %arg2[%add3A, %dma_wait3A_57, %dma_wait3A_58] : memref<32x128x128xi32, #tpu.memory_space<hbm>> -> memref<1x128x128xi32, #tpu.memory_space<hbm>>
      %dma_wait3A_60 = tpu.memref_squeeze %dma_wait3A_59 : memref<1x128x128xi32, #tpu.memory_space<hbm>> -> memref<128x128xi32, #tpu.memory_space<hbm>>
      %dma_wait3A_61 = arith.constant 0 : i32
      %dma_wait3A_62 = arith.constant 0 : i32
      %dma_wait3A_63 = tpu.memref_slice %arg2[%add3A, %dma_wait3A_61, %dma_wait3A_62] : memref<32x128x128xi32, #tpu.memory_space<hbm>> -> memref<1x128x128xi32, #tpu.memory_space<hbm>>
      %dma_wait3A_64 = tpu.memref_squeeze %dma_wait3A_63 : memref<1x128x128xi32, #tpu.memory_space<hbm>> -> memref<128x128xi32, #tpu.memory_space<hbm>>
      tpu.wait_dma2 semaphore(%run_scoped3A : memref<!tpu.dma_semaphore, #tpu.memory_space<semaphore_mem>>) src(%dma_wait3A_64 : memref<128x128xi32, #tpu.memory_space<hbm>>) dst(%arg7 : memref<128x128xi32, #tpu.memory_space<vmem>>)
      tpu.yield
    }) : () -> ()
    %iota3A = tpu.iota {dimensions = array<i32: 0>} : vector<16xi32>
    %lt3A = arith.constant 10 : i32
    %lt3A_5 = vector.broadcast %lt3A : i32 to vector<16xi32>
    %lt3A_6 = arith.cmpi slt, %iota3A, %lt3A_5 : vector<16xi32>
    %iota3A_7 = tpu.iota {dimensions = array<i32: 0>} : vector<16xi32>
    %dma_start3A = arith.constant 0 : i32
    %dma_start3A_8 = arith.constant 0 : i32
    %dma_start3A_9 = arith.constant 0 : i32
    %dma_start3A_10 = arith.constant 0 : i32
    %dma_start3A_11 = tpu.memref_slice %arg8[%dma_start3A_8, %dma_start3A_9, %dma_start3A_10] : memref<2x128x16xf32, #tpu.memory_space<vmem>> -> memref<1x128x16xf32, #tpu.memory_space<vmem>>
    %dma_start3A_12 = tpu.memref_squeeze %dma_start3A_11 : memref<1x128x16xf32, #tpu.memory_space<vmem>> -> memref<128x16xf32, #tpu.memory_space<vmem>>
    %dma_start3A_13 = arith.constant 0 : i32
    %dma_start3A_14 = tpu.memref_slice %arg7[%dma_start3A, %dma_start3A_13] : memref<128x128xi32, #tpu.memory_space<vmem>> -> memref<1x128xi32, #tpu.memory_space<vmem>>
    %dma_start3A_15 = tpu.memref_squeeze %dma_start3A_14 : memref<1x128xi32, #tpu.memory_space<vmem>> -> memref<128xi32, #tpu.memory_space<vmem>>
    %dma_start3A_16 = arith.constant 0 : i32
    %dma_start3A_17 = arith.constant 0 : i32
    %dma_start3A_18 = tpu.memref_slice %arg3[%dma_start3A_16, %dma_start3A_17] : memref<2600000x16xf32, #tpu.memory_space<hbm>> -> memref<2600000x16xf32, #tpu.memory_space<hbm>>
    tpu.enqueue_indirect_dma source(%dma_start3A_18 : memref<2600000x16xf32, #tpu.memory_space<hbm>>) target(%dma_start3A_12 : memref<128x16xf32, #tpu.memory_space<vmem>>) offsets(%dma_start3A_15 : memref<128xi32, #tpu.memory_space<vmem>>) semaphore(%arg11 : memref<!tpu.dma_semaphore, #tpu.memory_space<semaphore_mem>>)
    %dma_start3A_19 = arith.constant 0 : i32
    %dma_start3A_20 = arith.constant 0 : i32
    %dma_start3A_21 = arith.constant 0 : i32
    %dma_start3A_22 = tpu.memref_slice %arg9[%dma_start3A_20, %dma_start3A_21] : memref<2x128xf32, #tpu.memory_space<vmem>> -> memref<1x128xf32, #tpu.memory_space<vmem>>
    %dma_start3A_23 = tpu.memref_squeeze %dma_start3A_22 : memref<1x128xf32, #tpu.memory_space<vmem>> -> memref<128xf32, #tpu.memory_space<vmem>>
    %dma_start3A_24 = arith.constant 0 : i32
    %dma_start3A_25 = tpu.memref_slice %arg7[%dma_start3A_19, %dma_start3A_24] : memref<128x128xi32, #tpu.memory_space<vmem>> -> memref<1x128xi32, #tpu.memory_space<vmem>>
    %dma_start3A_26 = tpu.memref_squeeze %dma_start3A_25 : memref<1x128xi32, #tpu.memory_space<vmem>> -> memref<128xi32, #tpu.memory_space<vmem>>
    %dma_start3A_27 = arith.constant 0 : i32
    %dma_start3A_28 = tpu.memref_slice %arg4[%dma_start3A_27] : memref<2600000xf32, #tpu.memory_space<hbm>> -> memref<2600000xf32, #tpu.memory_space<hbm>>
    tpu.enqueue_indirect_dma source(%dma_start3A_28 : memref<2600000xf32, #tpu.memory_space<hbm>>) target(%dma_start3A_23 : memref<128xf32, #tpu.memory_space<vmem>>) offsets(%dma_start3A_26 : memref<128xi32, #tpu.memory_space<vmem>>) semaphore(%arg12 : memref<!tpu.dma_semaphore, #tpu.memory_space<semaphore_mem>>)
    %broadcast_in_dim3A = arith.constant 0.000000e+00 : f32
    %broadcast_in_dim3A_29 = vector.broadcast %broadcast_in_dim3A : f32 to vector<16xf32>
    %scan3A = arith.constant 0 : i32
    %scan3A_30 = arith.constant 128 : i32
    %scan3A_31 = arith.addi %scan3A, %scan3A_30 : i32
    %scan3A_32 = arith.constant 1 : i32
    %scan3A_33 = scf.for %scan3A_49 = %scan3A to %scan3A_31 step %scan3A_32 iter_args(%scan3A_50 = %broadcast_in_dim3A_29) -> (vector<16xf32>)  : i32 {
      %rem3A = arith.constant 2 : i32
      %rem3A_51 = arith.remsi %scan3A_49, %rem3A : i32
      %add3A_52 = arith.constant 1 : i32
      %add3A_53 = arith.addi %scan3A_49, %add3A_52 : i32
      %rem3A_54 = arith.constant 2 : i32
      %rem3A_55 = arith.remsi %add3A_53, %rem3A_54 : i32
      %ge3A = arith.constant 1 : i32
      %ge3A_56 = arith.cmpi sge, %scan3A_49, %ge3A : i32
      %convert_element_type3A = arith.extui %ge3A_56 : i1 to i32
      %cond3A = arith.constant 0 : i32
      %cond3A_57 = arith.cmpi ne, %convert_element_type3A, %cond3A : i32
      scf.if %cond3A_57 {
        %sub3A = arith.constant 1 : i32
        %sub3A_212 = arith.subi %scan3A_49, %sub3A : i32
        %mul3A_213 = arith.constant 128 : i32
        %mul3A_214 = arith.muli %sub3A_212, %mul3A_213 : i32
        %add3A_215 = arith.addi %mul3A_2, %mul3A_214 : i32
        %dma_wait3A_216 = arith.constant 0 : i32
        %dma_wait3A_217 = arith.constant 0 : i32
        %dma_wait3A_218 = tpu.memref_slice %arg8[%rem3A_55, %dma_wait3A_216, %dma_wait3A_217] : memref<2x128x16xf32, #tpu.memory_space<vmem>> -> memref<1x128x16xf32, #tpu.memory_space<vmem>>
        %dma_wait3A_219 = tpu.memref_squeeze %dma_wait3A_218 : memref<1x128x16xf32, #tpu.memory_space<vmem>> -> memref<128x16xf32, #tpu.memory_space<vmem>>
        %dma_wait3A_220 = arith.constant 0 : i32
        %dma_wait3A_221 = tpu.memref_slice %arg5[%add3A_215, %dma_wait3A_220] : memref<524288x16xf32, #tpu.memory_space<hbm>> -> memref<128x16xf32, #tpu.memory_space<hbm>>
        %dma_wait3A_222 = arith.constant 0 : i32
        %dma_wait3A_223 = tpu.memref_slice %arg5[%add3A_215, %dma_wait3A_222] : memref<524288x16xf32, #tpu.memory_space<hbm>> -> memref<128x16xf32, #tpu.memory_space<hbm>>
        %dma_wait3A_224 = arith.constant 0 : i32
        %dma_wait3A_225 = arith.constant 0 : i32
        %dma_wait3A_226 = tpu.memref_slice %arg8[%rem3A_55, %dma_wait3A_224, %dma_wait3A_225] : memref<2x128x16xf32, #tpu.memory_space<vmem>> -> memref<1x128x16xf32, #tpu.memory_space<vmem>>
        %dma_wait3A_227 = tpu.memref_squeeze %dma_wait3A_226 : memref<1x128x16xf32, #tpu.memory_space<vmem>> -> memref<128x16xf32, #tpu.memory_space<vmem>>
        tpu.wait_dma2 semaphore(%arg13 : memref<!tpu.dma_semaphore, #tpu.memory_space<semaphore_mem>>) src(%dma_wait3A_227 : memref<128x16xf32, #tpu.memory_space<vmem>>) dst(%dma_wait3A_223 : memref<128x16xf32, #tpu.memory_space<hbm>>)
      } else {
      }
      %add3A_58 = arith.constant 1 : i32
      %add3A_59 = arith.addi %scan3A_49, %add3A_58 : i32
      %lt3A_60 = arith.constant 128 : i32
      %lt3A_61 = arith.cmpi slt, %add3A_59, %lt3A_60 : i32
      %convert_element_type3A_62 = arith.extui %lt3A_61 : i1 to i32
      %cond3A_63 = arith.constant 0 : i32
      %cond3A_64 = arith.cmpi ne, %convert_element_type3A_62, %cond3A_63 : i32
      scf.if %cond3A_64 {
        %add3A_212 = arith.constant 1 : i32
        %add3A_213 = arith.addi %scan3A_49, %add3A_212 : i32
        %dma_start3A_214 = arith.constant 0 : i32
        %dma_start3A_215 = arith.constant 0 : i32
        %dma_start3A_216 = tpu.memref_slice %arg8[%rem3A_55, %dma_start3A_214, %dma_start3A_215] : memref<2x128x16xf32, #tpu.memory_space<vmem>> -> memref<1x128x16xf32, #tpu.memory_space<vmem>>
        %dma_start3A_217 = tpu.memref_squeeze %dma_start3A_216 : memref<1x128x16xf32, #tpu.memory_space<vmem>> -> memref<128x16xf32, #tpu.memory_space<vmem>>
        %dma_start3A_218 = arith.constant 0 : i32
        %dma_start3A_219 = tpu.memref_slice %arg7[%add3A_213, %dma_start3A_218] : memref<128x128xi32, #tpu.memory_space<vmem>> -> memref<1x128xi32, #tpu.memory_space<vmem>>
        %dma_start3A_220 = tpu.memref_squeeze %dma_start3A_219 : memref<1x128xi32, #tpu.memory_space<vmem>> -> memref<128xi32, #tpu.memory_space<vmem>>
        %dma_start3A_221 = arith.constant 0 : i32
        %dma_start3A_222 = arith.constant 0 : i32
        %dma_start3A_223 = tpu.memref_slice %arg3[%dma_start3A_221, %dma_start3A_222] : memref<2600000x16xf32, #tpu.memory_space<hbm>> -> memref<2600000x16xf32, #tpu.memory_space<hbm>>
        tpu.enqueue_indirect_dma source(%dma_start3A_223 : memref<2600000x16xf32, #tpu.memory_space<hbm>>) target(%dma_start3A_217 : memref<128x16xf32, #tpu.memory_space<vmem>>) offsets(%dma_start3A_220 : memref<128xi32, #tpu.memory_space<vmem>>) semaphore(%arg11 : memref<!tpu.dma_semaphore, #tpu.memory_space<semaphore_mem>>)
        %dma_start3A_224 = arith.constant 0 : i32
        %dma_start3A_225 = tpu.memref_slice %arg9[%rem3A_55, %dma_start3A_224] : memref<2x128xf32, #tpu.memory_space<vmem>> -> memref<1x128xf32, #tpu.memory_space<vmem>>
        %dma_start3A_226 = tpu.memref_squeeze %dma_start3A_225 : memref<1x128xf32, #tpu.memory_space<vmem>> -> memref<128xf32, #tpu.memory_space<vmem>>
        %dma_start3A_227 = arith.constant 0 : i32
        %dma_start3A_228 = tpu.memref_slice %arg7[%add3A_213, %dma_start3A_227] : memref<128x128xi32, #tpu.memory_space<vmem>> -> memref<1x128xi32, #tpu.memory_space<vmem>>
        %dma_start3A_229 = tpu.memref_squeeze %dma_start3A_228 : memref<1x128xi32, #tpu.memory_space<vmem>> -> memref<128xi32, #tpu.memory_space<vmem>>
        %dma_start3A_230 = arith.constant 0 : i32
        %dma_start3A_231 = tpu.memref_slice %arg4[%dma_start3A_230] : memref<2600000xf32, #tpu.memory_space<hbm>> -> memref<2600000xf32, #tpu.memory_space<hbm>>
        tpu.enqueue_indirect_dma source(%dma_start3A_231 : memref<2600000xf32, #tpu.memory_space<hbm>>) target(%dma_start3A_226 : memref<128xf32, #tpu.memory_space<vmem>>) offsets(%dma_start3A_229 : memref<128xi32, #tpu.memory_space<vmem>>) semaphore(%arg12 : memref<!tpu.dma_semaphore, #tpu.memory_space<semaphore_mem>>)
      } else {
      }
      %dma_wait3A_65 = arith.constant 0 : i32
      %dma_wait3A_66 = arith.constant 0 : i32
      %dma_wait3A_67 = tpu.memref_slice %arg8[%rem3A_51, %dma_wait3A_65, %dma_wait3A_66] : memref<2x128x16xf32, #tpu.memory_space<vmem>> -> memref<1x128x16xf32, #tpu.memory_space<vmem>>
      %dma_wait3A_68 = tpu.memref_squeeze %dma_wait3A_67 : memref<1x128x16xf32, #tpu.memory_space<vmem>> -> memref<128x16xf32, #tpu.memory_space<vmem>>
      %dma_wait3A_69 = arith.constant 0 : i32
      %dma_wait3A_70 = tpu.memref_slice %arg7[%scan3A_49, %dma_wait3A_69] : memref<128x128xi32, #tpu.memory_space<vmem>> -> memref<1x128xi32, #tpu.memory_space<vmem>>
      %dma_wait3A_71 = tpu.memref_squeeze %dma_wait3A_70 : memref<1x128xi32, #tpu.memory_space<vmem>> -> memref<128xi32, #tpu.memory_space<vmem>>
      %dma_wait3A_72 = arith.constant 0 : i32
      %dma_wait3A_73 = arith.constant 0 : i32
      %dma_wait3A_74 = tpu.memref_slice %arg3[%dma_wait3A_72, %dma_wait3A_73] : memref<2600000x16xf32, #tpu.memory_space<hbm>> -> memref<2600000x16xf32, #tpu.memory_space<hbm>>
      tpu.wait_indirect_dma semaphore(%arg11 : memref<!tpu.dma_semaphore, #tpu.memory_space<semaphore_mem>>) src(%dma_wait3A_74 : memref<2600000x16xf32, #tpu.memory_space<hbm>>) dst(%dma_wait3A_68 : memref<128x16xf32, #tpu.memory_space<vmem>>)
      %dma_wait3A_75 = arith.constant 0 : i32
      %dma_wait3A_76 = tpu.memref_slice %arg9[%rem3A_51, %dma_wait3A_75] : memref<2x128xf32, #tpu.memory_space<vmem>> -> memref<1x128xf32, #tpu.memory_space<vmem>>
      %dma_wait3A_77 = tpu.memref_squeeze %dma_wait3A_76 : memref<1x128xf32, #tpu.memory_space<vmem>> -> memref<128xf32, #tpu.memory_space<vmem>>
      %dma_wait3A_78 = arith.constant 0 : i32
      %dma_wait3A_79 = tpu.memref_slice %arg7[%scan3A_49, %dma_wait3A_78] : memref<128x128xi32, #tpu.memory_space<vmem>> -> memref<1x128xi32, #tpu.memory_space<vmem>>
      %dma_wait3A_80 = tpu.memref_squeeze %dma_wait3A_79 : memref<1x128xi32, #tpu.memory_space<vmem>> -> memref<128xi32, #tpu.memory_space<vmem>>
      %dma_wait3A_81 = arith.constant 0 : i32
      %dma_wait3A_82 = tpu.memref_slice %arg4[%dma_wait3A_81] : memref<2600000xf32, #tpu.memory_space<hbm>> -> memref<2600000xf32, #tpu.memory_space<hbm>>
      tpu.wait_indirect_dma semaphore(%arg12 : memref<!tpu.dma_semaphore, #tpu.memory_space<semaphore_mem>>) src(%dma_wait3A_82 : memref<2600000xf32, #tpu.memory_space<hbm>>) dst(%dma_wait3A_77 : memref<128xf32, #tpu.memory_space<vmem>>)
      %mul3A_83 = arith.constant 128 : i32
      %mul3A_84 = arith.muli %scan3A_49, %mul3A_83 : i32
      %add3A_85 = arith.addi %mul3A_2, %mul3A_84 : i32
      %dma_start3A_86 = arith.constant 0 : i32
      %dma_start3A_87 = arith.constant 0 : i32
      %dma_start3A_88 = tpu.memref_slice %arg8[%rem3A_51, %dma_start3A_86, %dma_start3A_87] : memref<2x128x16xf32, #tpu.memory_space<vmem>> -> memref<1x128x16xf32, #tpu.memory_space<vmem>>
      %dma_start3A_89 = tpu.memref_squeeze %dma_start3A_88 : memref<1x128x16xf32, #tpu.memory_space<vmem>> -> memref<128x16xf32, #tpu.memory_space<vmem>>
      %dma_start3A_90 = arith.constant 0 : i32
      %dma_start3A_91 = tpu.memref_slice %arg5[%add3A_85, %dma_start3A_90] : memref<524288x16xf32, #tpu.memory_space<hbm>> -> memref<128x16xf32, #tpu.memory_space<hbm>>
      %dma_start3A_92 = arith.constant 0 : i32
      %dma_start3A_93 = tpu.memref_slice %arg5[%add3A_85, %dma_start3A_92] : memref<524288x16xf32, #tpu.memory_space<hbm>> -> memref<128x16xf32, #tpu.memory_space<hbm>>
      %dma_start3A_94 = arith.constant 0 : i32
      %dma_start3A_95 = arith.constant 0 : i32
      %dma_start3A_96 = tpu.memref_slice %arg8[%rem3A_51, %dma_start3A_94, %dma_start3A_95] : memref<2x128x16xf32, #tpu.memory_space<vmem>> -> memref<1x128x16xf32, #tpu.memory_space<vmem>>
      %dma_start3A_97 = tpu.memref_squeeze %dma_start3A_96 : memref<1x128x16xf32, #tpu.memory_space<vmem>> -> memref<128x16xf32, #tpu.memory_space<vmem>>
      tpu.enqueue_dma source(%dma_start3A_97 : memref<128x16xf32, #tpu.memory_space<vmem>>) target(%dma_start3A_93 : memref<128x16xf32, #tpu.memory_space<hbm>>) target_semaphore(%arg13 : memref<!tpu.dma_semaphore, #tpu.memory_space<semaphore_mem>>)
      %get3A = arith.index_cast %rem3A_51 : i32 to index
      %get3A_98 = arith.constant 0 : index
      %get3A_99 = tpu.vector_load %arg9[%get3A, %get3A_98] {strides = array<i32>} : memref<2x128xf32, #tpu.memory_space<vmem>>, vector<16xf32>,
      %get3A_100 = arith.index_cast %rem3A_51 : i32 to index
      %get3A_101 = arith.constant 16 : index
      %get3A_102 = tpu.vector_load %arg9[%get3A_100, %get3A_101] {strides = array<i32>} : memref<2x128xf32, #tpu.memory_space<vmem>>, vector<16xf32>,
      %jit3A = arith.constant 0.000000e+00 : f32
      %broadcast_in_dim3A_103 = vector.broadcast %jit3A : f32 to vector<16xf32>
      %select_n3A = arith.select %lt3A_6, %get3A_102, %broadcast_in_dim3A_103 : vector<16xi1>, vector<16xf32>
      %reduce_sum3A = arith.constant true
      %reduce_sum3A_104 = vector.broadcast %reduce_sum3A : i1 to vector<16xi1>
      %reduce_sum3A_105 = tpu.scan <sum>, %get3A_99 masked %reduce_sum3A_104 : vector<16xf32>, vector<16xi1> -> vector<16xf32>
      %reduce_sum3A_106 = vector.extract %reduce_sum3A_105[15] : f32 from vector<16xf32>
      %reduce_sum3A_107 = arith.constant true
      %reduce_sum3A_108 = vector.broadcast %reduce_sum3A_107 : i1 to vector<16xi1>
      %reduce_sum3A_109 = tpu.scan <sum>, %select_n3A masked %reduce_sum3A_108 : vector<16xf32>, vector<16xi1> -> vector<16xf32>
      %reduce_sum3A_110 = vector.extract %reduce_sum3A_109[15] : f32 from vector<16xf32>
      %add3A_111 = arith.addf %reduce_sum3A_106, %reduce_sum3A_110 : f32
      %rem3A_112 = arith.constant 4 : i32
      %rem3A_113 = arith.remsi %scan3A_49, %rem3A_112 : i32
      %mul3A_114 = arith.constant 4 : i32
      %mul3A_115 = arith.muli %rem3A_113, %mul3A_114 : i32
      %add3A_116 = arith.constant 0 : i32
      %add3A_117 = arith.addi %mul3A_115, %add3A_116 : i32
      %eq3A = vector.broadcast %add3A_117 : i32 to vector<16xi32>
      %eq3A_118 = arith.cmpi eq, %iota3A_7, %eq3A : vector<16xi32>
      %broadcast_in_dim3A_119 = vector.broadcast %add3A_111 : f32 to vector<16xf32>
      %select_n3A_120 = arith.select %eq3A_118, %broadcast_in_dim3A_119, %scan3A_50 : vector<16xi1>, vector<16xf32>
      %get3A_121 = arith.index_cast %rem3A_51 : i32 to index
      %get3A_122 = arith.constant 32 : index
      %get3A_123 = tpu.vector_load %arg9[%get3A_121, %get3A_122] {strides = array<i32>} : memref<2x128xf32, #tpu.memory_space<vmem>>, vector<16xf32>,
      %get3A_124 = arith.index_cast %rem3A_51 : i32 to index
      %get3A_125 = arith.constant 48 : index
      %get3A_126 = tpu.vector_load %arg9[%get3A_124, %get3A_125] {strides = array<i32>} : memref<2x128xf32, #tpu.memory_space<vmem>>, vector<16xf32>,
      %jit3A_127 = arith.constant 0.000000e+00 : f32
      %broadcast_in_dim3A_128 = vector.broadcast %jit3A_127 : f32 to vector<16xf32>
      %select_n3A_129 = arith.select %lt3A_6, %get3A_126, %broadcast_in_dim3A_128 : vector<16xi1>, vector<16xf32>
      %reduce_sum3A_130 = arith.constant true
      %reduce_sum3A_131 = vector.broadcast %reduce_sum3A_130 : i1 to vector<16xi1>
      %reduce_sum3A_132 = tpu.scan <sum>, %get3A_123 masked %reduce_sum3A_131 : vector<16xf32>, vector<16xi1> -> vector<16xf32>
      %reduce_sum3A_133 = vector.extract %reduce_sum3A_132[15] : f32 from vector<16xf32>
      %reduce_sum3A_134 = arith.constant true
      %reduce_sum3A_135 = vector.broadcast %reduce_sum3A_134 : i1 to vector<16xi1>
      %reduce_sum3A_136 = tpu.scan <sum>, %select_n3A_129 masked %reduce_sum3A_135 : vector<16xf32>, vector<16xi1> -> vector<16xf32>
      %reduce_sum3A_137 = vector.extract %reduce_sum3A_136[15] : f32 from vector<16xf32>
      %add3A_138 = arith.addf %reduce_sum3A_133, %reduce_sum3A_137 : f32
      %rem3A_139 = arith.constant 4 : i32
      %rem3A_140 = arith.remsi %scan3A_49, %rem3A_139 : i32
      %mul3A_141 = arith.constant 4 : i32
      %mul3A_142 = arith.muli %rem3A_140, %mul3A_141 : i32
      %add3A_143 = arith.constant 1 : i32
      %add3A_144 = arith.addi %mul3A_142, %add3A_143 : i32
      %eq3A_145 = vector.broadcast %add3A_144 : i32 to vector<16xi32>
      %eq3A_146 = arith.cmpi eq, %iota3A_7, %eq3A_145 : vector<16xi32>
      %broadcast_in_dim3A_147 = vector.broadcast %add3A_138 : f32 to vector<16xf32>
      %select_n3A_148 = arith.select %eq3A_146, %broadcast_in_dim3A_147, %select_n3A_120 : vector<16xi1>, vector<16xf32>
      %get3A_149 = arith.index_cast %rem3A_51 : i32 to index
      %get3A_150 = arith.constant 64 : index
      %get3A_151 = tpu.vector_load %arg9[%get3A_149, %get3A_150] {strides = array<i32>} : memref<2x128xf32, #tpu.memory_space<vmem>>, vector<16xf32>,
      %get3A_152 = arith.index_cast %rem3A_51 : i32 to index
      %get3A_153 = arith.constant 80 : index
      %get3A_154 = tpu.vector_load %arg9[%get3A_152, %get3A_153] {strides = array<i32>} : memref<2x128xf32, #tpu.memory_space<vmem>>, vector<16xf32>,
      %jit3A_155 = arith.constant 0.000000e+00 : f32
      %broadcast_in_dim3A_156 = vector.broadcast %jit3A_155 : f32 to vector<16xf32>
      %select_n3A_157 = arith.select %lt3A_6, %get3A_154, %broadcast_in_dim3A_156 : vector<16xi1>, vector<16xf32>
      %reduce_sum3A_158 = arith.constant true
      %reduce_sum3A_159 = vector.broadcast %reduce_sum3A_158 : i1 to vector<16xi1>
      %reduce_sum3A_160 = tpu.scan <sum>, %get3A_151 masked %reduce_sum3A_159 : vector<16xf32>, vector<16xi1> -> vector<16xf32>
      %reduce_sum3A_161 = vector.extract %reduce_sum3A_160[15] : f32 from vector<16xf32>
      %reduce_sum3A_162 = arith.constant true
      %reduce_sum3A_163 = vector.broadcast %reduce_sum3A_162 : i1 to vector<16xi1>
      %reduce_sum3A_164 = tpu.scan <sum>, %select_n3A_157 masked %reduce_sum3A_163 : vector<16xf32>, vector<16xi1> -> vector<16xf32>
      %reduce_sum3A_165 = vector.extract %reduce_sum3A_164[15] : f32 from vector<16xf32>
      %add3A_166 = arith.addf %reduce_sum3A_161, %reduce_sum3A_165 : f32
      %rem3A_167 = arith.constant 4 : i32
      %rem3A_168 = arith.remsi %scan3A_49, %rem3A_167 : i32
      %mul3A_169 = arith.constant 4 : i32
      %mul3A_170 = arith.muli %rem3A_168, %mul3A_169 : i32
      %add3A_171 = arith.constant 2 : i32
      %add3A_172 = arith.addi %mul3A_170, %add3A_171 : i32
      %eq3A_173 = vector.broadcast %add3A_172 : i32 to vector<16xi32>
      %eq3A_174 = arith.cmpi eq, %iota3A_7, %eq3A_173 : vector<16xi32>
      %broadcast_in_dim3A_175 = vector.broadcast %add3A_166 : f32 to vector<16xf32>
      %select_n3A_176 = arith.select %eq3A_174, %broadcast_in_dim3A_175, %select_n3A_148 : vector<16xi1>, vector<16xf32>
      %get3A_177 = arith.index_cast %rem3A_51 : i32 to index
      %get3A_178 = arith.constant 96 : index
      %get3A_179 = tpu.vector_load %arg9[%get3A_177, %get3A_178] {strides = array<i32>} : memref<2x128xf32, #tpu.memory_space<vmem>>, vector<16xf32>,
      %get3A_180 = arith.index_cast %rem3A_51 : i32 to index
      %get3A_181 = arith.constant 112 : index
      %get3A_182 = tpu.vector_load %arg9[%get3A_180, %get3A_181] {strides = array<i32>} : memref<2x128xf32, #tpu.memory_space<vmem>>, vector<16xf32>,
      %jit3A_183 = arith.constant 0.000000e+00 : f32
      %broadcast_in_dim3A_184 = vector.broadcast %jit3A_183 : f32 to vector<16xf32>
      %select_n3A_185 = arith.select %lt3A_6, %get3A_182, %broadcast_in_dim3A_184 : vector<16xi1>, vector<16xf32>
      %reduce_sum3A_186 = arith.constant true
      %reduce_sum3A_187 = vector.broadcast %reduce_sum3A_186 : i1 to vector<16xi1>
      %reduce_sum3A_188 = tpu.scan <sum>, %get3A_179 masked %reduce_sum3A_187 : vector<16xf32>, vector<16xi1> -> vector<16xf32>
      %reduce_sum3A_189 = vector.extract %reduce_sum3A_188[15] : f32 from vector<16xf32>
      %reduce_sum3A_190 = arith.constant true
      %reduce_sum3A_191 = vector.broadcast %reduce_sum3A_190 : i1 to vector<16xi1>
      %reduce_sum3A_192 = tpu.scan <sum>, %select_n3A_185 masked %reduce_sum3A_191 : vector<16xf32>, vector<16xi1> -> vector<16xf32>
      %reduce_sum3A_193 = vector.extract %reduce_sum3A_192[15] : f32 from vector<16xf32>
      %add3A_194 = arith.addf %reduce_sum3A_189, %reduce_sum3A_193 : f32
      %rem3A_195 = arith.constant 4 : i32
      %rem3A_196 = arith.remsi %scan3A_49, %rem3A_195 : i32
      %mul3A_197 = arith.constant 4 : i32
      %mul3A_198 = arith.muli %rem3A_196, %mul3A_197 : i32
      %add3A_199 = arith.constant 3 : i32
      %add3A_200 = arith.addi %mul3A_198, %add3A_199 : i32
      %eq3A_201 = vector.broadcast %add3A_200 : i32 to vector<16xi32>
      %eq3A_202 = arith.cmpi eq, %iota3A_7, %eq3A_201 : vector<16xi32>
      %broadcast_in_dim3A_203 = vector.broadcast %add3A_194 : f32 to vector<16xf32>
      %select_n3A_204 = arith.select %eq3A_202, %broadcast_in_dim3A_203, %select_n3A_176 : vector<16xi1>, vector<16xf32>
      %rem3A_205 = arith.constant 4 : i32
      %rem3A_206 = arith.remsi %scan3A_49, %rem3A_205 : i32
      %eq3A_207 = arith.constant 3 : i32
      %eq3A_208 = arith.cmpi eq, %rem3A_206, %eq3A_207 : i32
      %convert_element_type3A_209 = arith.extui %eq3A_208 : i1 to i32
      %cond3A_210 = arith.constant 0 : i32
      %cond3A_211 = arith.cmpi ne, %convert_element_type3A_209, %cond3A_210 : i32
      scf.if %cond3A_211 {
        %div3A = arith.constant 4 : i32
        %div3A_212 = arith.divsi %scan3A_49, %div3A : i32
        %mul3A_213 = arith.constant 16 : i32
        %mul3A_214 = arith.muli %div3A_212, %mul3A_213 : i32
        %swap3A = arith.index_cast %mul3A_214 : i32 to index
        %swap3A_215 = tpu.vector_load %arg10[%swap3A] {strides = array<i32>} : memref<512xf32, #tpu.memory_space<vmem>>, vector<16xf32>,
        tpu.vector_store %arg10[%swap3A], %select_n3A_204 {strides = array<i32>} : memref<512xf32, #tpu.memory_space<vmem>>, vector<16xf32>,
      } else {
      }
      scf.yield %select_n3A_204 : vector<16xf32>
    }
    %scan3A_34 = arith.constant 128 : i32
    %add3A_35 = arith.constant 16256 : i32
    %add3A_36 = arith.addi %mul3A_2, %add3A_35 : i32
    %dma_wait3A = arith.constant 1 : i32
    %dma_wait3A_37 = arith.constant 0 : i32
    %dma_wait3A_38 = arith.constant 0 : i32
    %dma_wait3A_39 = tpu.memref_slice %arg8[%dma_wait3A, %dma_wait3A_37, %dma_wait3A_38] : memref<2x128x16xf32, #tpu.memory_space<vmem>> -> memref<1x128x16xf32, #tpu.memory_space<vmem>>
    %dma_wait3A_40 = tpu.memref_squeeze %dma_wait3A_39 : memref<1x128x16xf32, #tpu.memory_space<vmem>> -> memref<128x16xf32, #tpu.memory_space<vmem>>
    %dma_wait3A_41 = arith.constant 0 : i32
    %dma_wait3A_42 = tpu.memref_slice %arg5[%add3A_36, %dma_wait3A_41] : memref<524288x16xf32, #tpu.memory_space<hbm>> -> memref<128x16xf32, #tpu.memory_space<hbm>>
    %dma_wait3A_43 = arith.constant 0 : i32
    %dma_wait3A_44 = tpu.memref_slice %arg5[%add3A_36, %dma_wait3A_43] : memref<524288x16xf32, #tpu.memory_space<hbm>> -> memref<128x16xf32, #tpu.memory_space<hbm>>
    %dma_wait3A_45 = arith.constant 0 : i32
    %dma_wait3A_46 = arith.constant 0 : i32
    %dma_wait3A_47 = tpu.memref_slice %arg8[%dma_wait3A, %dma_wait3A_45, %dma_wait3A_46] : memref<2x128x16xf32, #tpu.memory_space<vmem>> -> memref<1x128x16xf32, #tpu.memory_space<vmem>>
    %dma_wait3A_48 = tpu.memref_squeeze %dma_wait3A_47 : memref<1x128x16xf32, #tpu.memory_space<vmem>> -> memref<128x16xf32, #tpu.memory_space<vmem>>
    tpu.wait_dma2 semaphore(%arg13 : memref<!tpu.dma_semaphore, #tpu.memory_space<semaphore_mem>>) src(%dma_wait3A_48 : memref<128x16xf32, #tpu.memory_space<vmem>>) dst(%dma_wait3A_44 : memref<128x16xf32, #tpu.memory_space<hbm>>)
    "tpu.region"() ({
      %run_scoped3A = tpu.sem_alloc : memref<!tpu.dma_semaphore, #tpu.memory_space<semaphore_mem>>
      %dma_start3A_49 = tpu.memref_slice %arg6[%mul3A_4] : memref<16384xf32, #tpu.memory_space<hbm>> -> memref<512xf32, #tpu.memory_space<hbm>>
      %dma_start3A_50 = tpu.memref_slice %arg6[%mul3A_4] : memref<16384xf32, #tpu.memory_space<hbm>> -> memref<512xf32, #tpu.memory_space<hbm>>
      tpu.enqueue_dma source(%arg10 : memref<512xf32, #tpu.memory_space<vmem>>) target(%dma_start3A_50 : memref<512xf32, #tpu.memory_space<hbm>>) target_semaphore(%run_scoped3A : memref<!tpu.dma_semaphore, #tpu.memory_space<semaphore_mem>>)
      %dma_wait3A_51 = tpu.memref_slice %arg6[%mul3A_4] : memref<16384xf32, #tpu.memory_space<hbm>> -> memref<512xf32, #tpu.memory_space<hbm>>
      %dma_wait3A_52 = tpu.memref_slice %arg6[%mul3A_4] : memref<16384xf32, #tpu.memory_space<hbm>> -> memref<512xf32, #tpu.memory_space<hbm>>
      tpu.wait_dma2 semaphore(%run_scoped3A : memref<!tpu.dma_semaphore, #tpu.memory_space<semaphore_mem>>) src(%arg10 : memref<512xf32, #tpu.memory_space<vmem>>) dst(%dma_wait3A_52 : memref<512xf32, #tpu.memory_space<hbm>>)
      tpu.yield
    }) : () -> ()
    return
  }
}

module attributes {stable_mosaic.version = 14 : i64} {
  func.func @_tc_body(%arg0: i32, %arg1: memref<256x512xf32, #tpu.memory_space<vmem>>, %arg2: memref<256xf32, #tpu.memory_space<vmem>>, %arg3: memref<512x400xf32, #tpu.memory_space<vmem>>, %arg4: memref<400xf32, #tpu.memory_space<vmem>>, %arg5: memref<400x400xf32, #tpu.memory_space<vmem>>, %arg6: memref<400xf32, #tpu.memory_space<vmem>>, %arg7: memref<1x400xf32, #tpu.memory_space<vmem>>, %arg8: memref<512x16xf32, #tpu.memory_space<vmem>>, %arg9: memref<1xf32, #tpu.memory_space<vmem>>, %arg10: memref<256xf32, #tpu.memory_space<vmem>>) attributes {dimension_semantics = [#tpu.dimension_semantics<arbitrary>], iteration_bounds = array<i64: 64>, scalar_prefetch = 0 : i64, scratch_operands = 0 : i64, tpu.core_type = #tpu.core_type<tc>, window_params = [{transform_indices = @transform_0, window_bounds = array<i64: 256, 512>}, {transform_indices = @transform_1, window_bounds = array<i64: 256>}, {pipeline_mode = #tpu.pipeline_mode<synchronous>, transform_indices = @transform_2, window_bounds = array<i64: 512, 400>}, {pipeline_mode = #tpu.pipeline_mode<synchronous>, transform_indices = @transform_3, window_bounds = array<i64: 400>}, {pipeline_mode = #tpu.pipeline_mode<synchronous>, transform_indices = @transform_4, window_bounds = array<i64: 400, 400>}, {pipeline_mode = #tpu.pipeline_mode<synchronous>, transform_indices = @transform_5, window_bounds = array<i64: 400>}, {pipeline_mode = #tpu.pipeline_mode<synchronous>, transform_indices = @transform_6, window_bounds = array<i64: 1, 400>}, {pipeline_mode = #tpu.pipeline_mode<synchronous>, transform_indices = @transform_7, window_bounds = array<i64: 512, 16>}, {pipeline_mode = #tpu.pipeline_mode<synchronous>, transform_indices = @transform_8, window_bounds = array<i64: 1>}, {transform_indices = @transform_9, window_bounds = array<i64: 256>}]} {
    %get3A = arith.constant 0 : index
    %get3A_0 = arith.constant 0 : index
    %get3A_1 = vector.load %arg1[%get3A, %get3A_0] : memref<256x512xf32, #tpu.memory_space<vmem>>, vector<256x512xf32>
    %get3A_2 = arith.constant 0 : index
    %get3A_3 = arith.constant 0 : index
    %get3A_4 = vector.load %arg8[%get3A_2, %get3A_3] : memref<512x16xf32, #tpu.memory_space<vmem>>, vector<512x16xf32>
    %dot_general3A = arith.constant dense<0.000000e+00> : vector<256x16xf32>
    %dot_general3A_5 = tpu.matmul %get3A_1, %get3A_4, %dot_general3A {dimension_numbers = #tpu.dot_dimension_numbers<[1], [0], [0], [1], [0, 0, 1, 1], [], []>, transpose_lhs_hint = false} : vector<256x512xf32>, vector<512x16xf32>, vector<256x16xf32> -> vector<256x16xf32>
    %mul3A = arith.mulf %get3A_1, %get3A_1 : vector<256x512xf32>
    %dot_general3A_6 = arith.constant dense<0.000000e+00> : vector<256x16xf32>
    %dot_general3A_7 = tpu.matmul %mul3A, %get3A_4, %dot_general3A_6 {dimension_numbers = #tpu.dot_dimension_numbers<[1], [0], [0], [1], [0, 0, 1, 1], [], []>, transpose_lhs_hint = false} : vector<256x512xf32>, vector<512x16xf32>, vector<256x16xf32> -> vector<256x16xf32>
    %mul3A_8 = arith.mulf %dot_general3A_5, %dot_general3A_5 : vector<256x16xf32>
    %sub3A = arith.subf %mul3A_8, %dot_general3A_7 : vector<256x16xf32>
    %reduce_sum3A = arith.constant dense<0.000000e+00> : vector<256xf32>
    %reduce_sum3A_9 = vector.multi_reduction <add>, %sub3A, %reduce_sum3A [1] : vector<256x16xf32> to vector<256xf32>
    %mul3A_10 = arith.constant 5.000000e-01 : f32
    %mul3A_11 = vector.broadcast %mul3A_10 : f32 to vector<256xf32>
    %mul3A_12 = arith.mulf %mul3A_11, %reduce_sum3A_9 : vector<256xf32>
    %get3A_13 = arith.constant 0 : index
    %get3A_14 = arith.constant 0 : index
    %get3A_15 = vector.load %arg3[%get3A_13, %get3A_14] : memref<512x400xf32, #tpu.memory_space<vmem>>, vector<512x400xf32>
    %dot_general3A_16 = arith.constant dense<0.000000e+00> : vector<256x400xf32>
    %dot_general3A_17 = tpu.matmul %get3A_1, %get3A_15, %dot_general3A_16 {dimension_numbers = #tpu.dot_dimension_numbers<[1], [0], [0], [1], [0, 0, 1, 1], [], []>, transpose_lhs_hint = false} : vector<256x512xf32>, vector<512x400xf32>, vector<256x400xf32> -> vector<256x400xf32>
    %get3A_18 = arith.constant 0 : index
    %get3A_19 = vector.load %arg4[%get3A_18] : memref<400xf32, #tpu.memory_space<vmem>>, vector<400xf32>
    %broadcast_in_dim3A = vector.shape_cast %get3A_19 : vector<400xf32> to vector<1x400xf32>
    %add3A = vector.broadcast %broadcast_in_dim3A : vector<1x400xf32> to vector<256x400xf32>
    %add3A_20 = arith.addf %dot_general3A_17, %add3A : vector<256x400xf32>
    %max3A = arith.constant 0.000000e+00 : f32
    %max3A_21 = vector.broadcast %max3A : f32 to vector<256x400xf32>
    %max3A_22 = arith.maximumf %add3A_20, %max3A_21 : vector<256x400xf32>
    %get3A_23 = arith.constant 0 : index
    %get3A_24 = arith.constant 0 : index
    %get3A_25 = vector.load %arg5[%get3A_23, %get3A_24] : memref<400x400xf32, #tpu.memory_space<vmem>>, vector<400x400xf32>
    %dot_general3A_26 = arith.constant dense<0.000000e+00> : vector<256x400xf32>
    %dot_general3A_27 = tpu.matmul %max3A_22, %get3A_25, %dot_general3A_26 {dimension_numbers = #tpu.dot_dimension_numbers<[1], [0], [0], [1], [0, 0, 1, 1], [], []>, transpose_lhs_hint = false} : vector<256x400xf32>, vector<400x400xf32>, vector<256x400xf32> -> vector<256x400xf32>
    %get3A_28 = arith.constant 0 : index
    %get3A_29 = vector.load %arg6[%get3A_28] : memref<400xf32, #tpu.memory_space<vmem>>, vector<400xf32>
    %broadcast_in_dim3A_30 = vector.shape_cast %get3A_29 : vector<400xf32> to vector<1x400xf32>
    %add3A_31 = vector.broadcast %broadcast_in_dim3A_30 : vector<1x400xf32> to vector<256x400xf32>
    %add3A_32 = arith.addf %dot_general3A_27, %add3A_31 : vector<256x400xf32>
    %max3A_33 = arith.constant 0.000000e+00 : f32
    %max3A_34 = vector.broadcast %max3A_33 : f32 to vector<256x400xf32>
    %max3A_35 = arith.maximumf %add3A_32, %max3A_34 : vector<256x400xf32>
    %get3A_36 = arith.constant 0 : index
    %get3A_37 = arith.constant 0 : index
    %get3A_38 = vector.load %arg7[%get3A_36, %get3A_37] : memref<1x400xf32, #tpu.memory_space<vmem>>, vector<1x400xf32>
    %mul3A_39 = vector.broadcast %get3A_38 : vector<1x400xf32> to vector<256x400xf32>
    %mul3A_40 = arith.mulf %max3A_35, %mul3A_39 : vector<256x400xf32>
    %reduce_sum3A_41 = arith.constant dense<0.000000e+00> : vector<256xf32>
    %reduce_sum3A_42 = vector.multi_reduction <add>, %mul3A_40, %reduce_sum3A_41 [1] : vector<256x400xf32> to vector<256xf32>
    %get3A_43 = arith.constant 0 : index
    %get3A_44 = vector.load %arg2[%get3A_43] : memref<256xf32, #tpu.memory_space<vmem>>, vector<256xf32>
    %add3A_45 = arith.addf %get3A_44, %mul3A_12 : vector<256xf32>
    %add3A_46 = arith.addf %add3A_45, %reduce_sum3A_42 : vector<256xf32>
    %get3A_47 = arith.constant 0 : index
    %get3A_48 = vector.load %arg9[%get3A_47] : memref<1xf32, #tpu.memory_space<vmem>>, vector<1xf32>
    %get3A_49 = vector.extract %get3A_48[0] : f32 from vector<1xf32>
    %add3A_50 = vector.broadcast %get3A_49 : f32 to vector<256xf32>
    %add3A_51 = arith.addf %add3A_46, %add3A_50 : vector<256xf32>
    %logistic3A = arith.negf %add3A_51 : vector<256xf32>
    %logistic3A_52 = math.exp %logistic3A : vector<256xf32>
    %logistic3A_53 = arith.constant 1.000000e+00 : f32
    %logistic3A_54 = vector.broadcast %logistic3A_53 : f32 to vector<256xf32>
    %logistic3A_55 = arith.addf %logistic3A_54, %logistic3A_52 : vector<256xf32>
    %logistic3A_56 = arith.divf %logistic3A_54, %logistic3A_55 : vector<256xf32>
    %swap3A = arith.constant 0 : index
    %swap3A_57 = vector.load %arg10[%swap3A] : memref<256xf32, #tpu.memory_space<vmem>>, vector<256xf32>
    tpu.vector_store %arg10[%swap3A], %logistic3A_56 {strides = array<i32>} : memref<256xf32, #tpu.memory_space<vmem>>, vector<256xf32>,
    return
  }
  func.func @transform_0(%arg0: i32) -> (i32, i32) {
    %c0_i32 = arith.constant 0 : i32
    %c0_i32_0 = arith.constant 0 : i32
    return %arg0, %c0_i32 : i32, i32
  }
  func.func @transform_1(%arg0: i32) -> i32 {
    %c0_i32 = arith.constant 0 : i32
    return %arg0 : i32
  }
  func.func @transform_2(%arg0: i32) -> (i32, i32) {
    %c0_i32 = arith.constant 0 : i32
    %c0_i32_0 = arith.constant 0 : i32
    %c0_i32_1 = arith.constant 0 : i32
    return %c0_i32, %c0_i32_0 : i32, i32
  }
  func.func @transform_3(%arg0: i32) -> i32 {
    %c0_i32 = arith.constant 0 : i32
    %c0_i32_0 = arith.constant 0 : i32
    return %c0_i32 : i32
  }
  func.func @transform_4(%arg0: i32) -> (i32, i32) {
    %c0_i32 = arith.constant 0 : i32
    %c0_i32_0 = arith.constant 0 : i32
    %c0_i32_1 = arith.constant 0 : i32
    return %c0_i32, %c0_i32_0 : i32, i32
  }
  func.func @transform_5(%arg0: i32) -> i32 {
    %c0_i32 = arith.constant 0 : i32
    %c0_i32_0 = arith.constant 0 : i32
    return %c0_i32 : i32
  }
  func.func @transform_6(%arg0: i32) -> (i32, i32) {
    %c0_i32 = arith.constant 0 : i32
    %c0_i32_0 = arith.constant 0 : i32
    %c0_i32_1 = arith.constant 0 : i32
    return %c0_i32, %c0_i32_0 : i32, i32
  }
  func.func @transform_7(%arg0: i32) -> (i32, i32) {
    %c0_i32 = arith.constant 0 : i32
    %c0_i32_0 = arith.constant 0 : i32
    %c0_i32_1 = arith.constant 0 : i32
    return %c0_i32, %c0_i32_0 : i32, i32
  }
  func.func @transform_8(%arg0: i32) -> i32 {
    %c0_i32 = arith.constant 0 : i32
    %c0_i32_0 = arith.constant 0 : i32
    return %c0_i32 : i32
  }
  func.func @transform_9(%arg0: i32) -> i32 {
    %c0_i32 = arith.constant 0 : i32
    return %arg0 : i32
  }
}

</mosaic_0001>

<sc_bundles>
// kernel: kernel.4.cloned.1.call-start
scs
__scs_entry_jumppad:
0x0: {  	(pc) =	sbr.rel $0x88, $3  }
0x1: {  	(tag) =	ssettag $0x0;
	lr =	simm.s32 $0x1  }
0x2: {  	[smem:$0x3F97] =	sst lr;
	_ =	strace $0xD0000000  }
0x3: {  	_ = 	snop  }
0x4: {  	_ = 	snop  }
0x5: {  	_ = 	snop  }
0x6: {  	_ = 	snop  }
0x7: {  	_ = 	snop  }
__scs_overlays_trampoline_lowered:
0x8: {  	[smem:$0x3FA6] =	sst s0  }
0x9: {  	[smem:$0x3FA7] =	sst s1  }
0xa: {  	[smem:$0x3FA8] =	sst s2  }
0xb: {  	[smem:$0x3FA9] =	sst s3  }
0xc: {  	[smem:$0x3FAA] =	sst s4  }
0xd: {  	[smem:$0x3FAB] =	sst s5  }
0xe: {  	[smem:$0x3FAC] =	sst s6  }
0xf: {  	[smem:$0x3FAD] =	sst s7  }
0x10: {  	[smem:$0x3FAE] =	sst s8  }
0x11: {  	[smem:$0x3FAF] =	sst s9;
	s0 =	simm.s32 @!p0 $0x0  }
0x12: {  	s1 =	sld [smem:$0x3F95];
	s0 =	simm.s32 @p0 $0x1  }
0x13: {  	[smem:$0x3FB0] =	sst s0;
	s0 =	simm.s32 @!p1 $0x0  }
0x14: {  	s2 =	sld [smem:$0x3F94];
	s0 =	simm.s32 @p1 $0x1  }
0x15: {  	[smem:$0x3FB1] =	sst s0;
	s0 =	simm.s32 @!p2 $0x0  }
0x16: {  	s3 =	sld [smem:$0x3FDB];
	s0 =	simm.s32 @p2 $0x1  }
0x17: {  	s4 =	simm.s32 $0x1BF5;
	[smem:$0x3FB3] =	sst s0  }
0x18: {  	s0 =	sld [smem:$0x3F96];
	_ =	swait.ge [sflag:s4], $0x0  }
0x19: {  	s7 =	sld [smem:$0x3F97]  }
0x1a: {  	s8 =	sadd.s32 $0xFFFFE003, lr  }
0x1b: {  	s9 =	sadd.s32 $0xFFFFFEF7, lr;
	s5 =	simm.s32 $0xFFFFFFFF;
	p2 =	slt.u32 s8, $0xFFFFF086  }
0x1c: {  	p1 =	slt.u32 s9, $0xF7A;
	s5 =	simm.s32 @!p2 $0x0  }
0x1d: {  	s5 =	simm.s32 @p1 $0x1;
	p0 =	seq.s32 s7, s2  }
0x1e: {  	s7 =	smul.u32 @!p0 $0xF7A, s2;
	p2 =	seq.s32 @!p0 s5, $0x0  }
0x1f: {  	s9 =	smul.u32 $0xF7A, s1;
	s8 =	simm.s32 @!p0 $0x1BF5;
	p2 =	por !p2, p0  }
0x20: {  	[sflag:s8] =	ssyncset.s32 @!p0 $0xFFFFF086;
	s6 =	sadd.s32 @!p0 s3, s7;
	s7 =	simm.s32 @!p0 $0x108  }
0x21: {  	s3 =	sadd.s32 s3, s9;
	s6 =	sadd.s32 @!p0 $0x88, s6;
	s7 =	simm.s32 @p2 $0x1082  }
0x22: {  	[simem:s7], [sflag:s8] =	dma.local @!p0 [hbm:s6], $0xF7A  }
0x23: {  	s9 =	sor.u32 $0xD0000000, s2;
	s6 =	simm.s32 $0x108;
	_ =	swait.ge @!p0 [sflag:s8], $0x0  }
0x24: {  	s3 =	sadd.s32 $0x88, s3;
	s6 =	simm.s32 @!p1 $0x1082;
	[sflag:s4] =	ssyncset.s32 $0xFFFFF086  }
0x25: {  	[simem:s6], [sflag:s4] =	dma.local [hbm:s3], $0xF7A  }
0x26: {  	[smem:$0x3F97] =	sst s1;
	(tag) =	ssettag s2;
	_ =	strace s9  }
0x27: {  	s1 =	sld [smem:$0x3FA7]  }
0x28: {  	s2 =	sld [smem:$0x3FA8]  }
0x29: {  	s4 =	sld [smem:$0x3FAA]  }
0x2a: {  	p0 =	seq.s32 s5, $0x0;
	s5 =	sld [smem:$0x3FAB]  }
0x2b: {  	s6 =	sld [smem:$0x3FAC]  }
0x2c: {  	s7 =	sld [smem:$0x3FAD]  }
0x2d: {  	s3 =	simm.s32 $0x108;
	s8 =	sld [smem:$0x3FAE]  }
0x2e: {  	s3 =	simm.s32 @!p0 $0x1082;
	s9 =	sld [smem:$0x3FAF]  }
0x2f: {  	lr =	sadd.s32 s0, s3;
	s0 =	sld [smem:$0x3FA6]  }
0x30: {  	s3 =	sld [smem:$0x3FA9]  }
0x31: {  	[smem:$0x3FB2] =	sst s10  }
0x32: {  	s10 =	sld [smem:$0x3FB0];
	_ =	sdelay $0x3  }
0x33: {  	p0 =	seq.s32 s10, $0x1;
	s10 =	sld [smem:$0x3FB2];
	_ =	sdelay $0x3  }
0x34: {  	[smem:$0x3FB2] =	sst s10  }
0x35: {  	s10 =	sld [smem:$0x3FB1];
	_ =	sdelay $0x3  }
0x36: {  	p1 =	seq.s32 s10, $0x1;
	s10 =	sld [smem:$0x3FB2];
	_ =	sdelay $0x3  }
0x37: {  	[smem:$0x3FB2] =	sst s10  }
0x38: {  	s10 =	sld [smem:$0x3FB3]  }
0x39: {  	_ = 	snop;
	(pc) =	sbr.ind lr, $3  }
0x3a: {  	_ = 	snop  }
0x3b: {  	_ = 	snop  }
0x3c: {  	p2 =	seq.s32 s10, $0x1;
	s10 =	sld [smem:$0x3FB2]  }
0x3d: {  	_ =	shalt  }
0x3e: {  	_ =	shalt  }
0x3f: {  	_ =	shalt  }
0x40: {  	_ =	shalt  }
0x41: {  	_ =	shalt  }
0x42: {  	_ =	shalt  }
0x43: {  	_ =	shalt  }
0x44: {  	_ =	shalt  }
0x45: {  	_ =	shalt  }
0x46: {  	_ =	shalt  }
0x47: {  	_ =	shalt  }
0x48: {  	_ =	shalt  }
0x49: {  	_ =	shalt  }
0x4a: {  	_ =	shalt  }
0x4b: {  	_ =	shalt  }
0x4c: {  	_ =	shalt  }
0x4d: {  	_ =	shalt  }
0x4e: {  	_ =	shalt  }
0x4f: {  	_ =	shalt  }
0x50: {  	_ =	shalt  }
0x51: {  	_ =	shalt  }
0x52: {  	_ =	shalt  }
0x53: {  	_ =	shalt  }
0x54: {  	_ =	shalt  }
0x55: {  	_ =	shalt  }
0x56: {  	_ =	shalt  }
0x57: {  	_ =	shalt  }
0x58: {  	_ =	shalt  }
0x59: {  	_ =	shalt  }
0x5a: {  	_ =	shalt  }
0x5b: {  	_ =	shalt  }
0x5c: {  	_ =	shalt  }
0x5d: {  	_ =	shalt  }
0x5e: {  	_ =	shalt  }
0x5f: {  	_ =	shalt  }
0x60: {  	_ =	shalt  }
0x61: {  	_ =	shalt  }
0x62: {  	_ =	shalt  }
0x63: {  	_ =	shalt  }
0x64: {  	_ =	shalt  }
0x65: {  	_ =	shalt  }
0x66: {  	_ =	shalt  }
0x67: {  	_ =	shalt  }
0x68: {  	_ =	shalt  }
0x69: {  	_ =	shalt  }
0x6a: {  	_ =	shalt  }
0x6b: {  	_ =	shalt  }
0x6c: {  	_ =	shalt  }
0x6d: {  	_ =	shalt  }
0x6e: {  	_ =	shalt  }
0x6f: {  	_ =	shalt  }
0x70: {  	_ =	shalt  }
0x71: {  	_ =	shalt  }
0x72: {  	_ =	shalt  }
0x73: {  	_ =	shalt  }
0x74: {  	_ =	shalt  }
0x75: {  	_ =	shalt  }
0x76: {  	_ =	shalt  }
0x77: {  	_ =	shalt  }
0x78: {  	_ =	shalt  }
0x79: {  	_ =	shalt  }
0x7a: {  	_ =	shalt  }
0x7b: {  	_ =	shalt  }
0x7c: {  	_ =	shalt  }
0x7d: {  	_ =	shalt  }
0x7e: {  	_ =	shalt  }
0x7f: {  	_ =	shalt  }
0x80: {  	_ =	shalt  }
0x81: {  	_ =	shalt  }
0x82: {  	_ =	shalt  }
0x83: {  	_ =	shalt  }
0x84: {  	_ =	shalt  }
0x85: {  	_ =	shalt  }
0x86: {  	_ =	shalt  }
0x87: {  	_ =	shalt  }
.Lfunc_end0:
.L_simem_size_0:
called_computation_lowered:
.L_overlay_start_0:
0x88: {  	s2 =	sld [smem:$0x3FD9]  }
0x89: {  	s3 =	sld [smem:$0x3FFE];
	_ =	sdelay $0x1  }
0x8a: {  	s1 =	srdreg.scid  }
0x8b: {  	s0 =	sand.u32 $0x1, s1  }
0x8c: {  	s17 =	sshll.u32 s0, $0xA;
	s2 =	sadd.s32 s3, s2  }
0x8d: {  	s2 =	sadd.s32 s2, s17  }
0x8e: {  	[smem:$0x3FBE] =	sst s2  }
0x8f: {  	_ = 	snop  }
0x90: {  	s2 =	sld [smem:$0x3FD0];
	(tm) =	ssettm $0x1  }
0x91: {  	s18 =	sld [smem:$0x3FFB];
	_ =	sdelay $0x3  }
0x92: {  	_ =	strace s18  }
0x93: {  	s3 =	sld [smem:$0x3FFC];
	_ =	sdelay $0x3  }
0x94: {  	_ =	strace s3  }
0x95: {  	s3 =	sld [smem:$0x3FFD];
	_ =	sdelay $0x3  }
0x96: {  	_ =	strace s3  }
0x97: {  	_ =	strace $0x8FFFFFFF  }
0x98: {  	s19 =	sld [smem:$0x3FDB];
	_ =	sdelay $0x1  }
0x99: {  	s4 =	simm.s32 $_scs_section_size  }
0x9a: {  	s5 =	simm.s32 $_size__tile_overlayer_lowered;
	s6 =	simm.s32 $_tile_overlayer_lowered  }
0x9b: {  	s22 =	simm.s32 $0x1BFF;
	s21 =	sshll.u32 s6, $0x1;
	s3 =	sadd.s32 s4, s19  }
0x9c: {  	s7 =	simm.s32 $0x0;
	s20 =	sshll.u32 s5, $0x1;
	s5 =	sadd.s32 s21, s3  }
0x9d: {  	[timem:s7], [sflag:s22] =	dma.local [hbm:s5], s20  }
0x9e: {  	_ =	swait.ge [sflag:s22], s20  }
0x9f: {  	s4 =	ssub.s32 $0x0, s20;
	[sflag:s22] =	ssyncset.done $0x0  }
0xa0: {  	[sflag:s22] =	ssyncadd.s32 s4;
	_ =	sdelay $0x1  }
0xa1: {  	s23 =	simm.s32 $0x1B8B  }
0xa2: {  	_ =	swait.ge [sflag:s23], $0x1  }
0xa3: {  	[sflag:s23] =	ssyncset.done $0x0  }
0xa4: {  	s25 =	simm.s32 $0x1B8E;
	s24 =	sld [smem:$0x3FFE];
	[sflag:s23] =	ssyncadd.s32 $0xFFFFFFFF  }
0xa5: {  	s26 =	simm.s32 $execute0_lowered;
	[smem:$0x3FD2] =	sst s25  }
0xa6: {  	s5 =	sshll.u32 s26, $0x1;
	_ =	strace $0x80000046;
	[dreg:$0x1] =	wrdreg $0xFFFFFFFF  }
0xa7: {  	s28 =	simm.s32 $_size_execute0_lowered;
	s3 =	sadd.s32 s3, s5;
	[dreg:$0x0] =	wrdreg $0x0  }
0xa8: {  	s5 =	sshll.u32 s28, $0x1;
	[dreg:$0x2] =	wrdreg s3  }
0xa9: {  	[dreg:$0x3] =	wrdreg s5  }
0xaa: {  	[dreg:$0x4] =	wrdreg $0xC0  }
0xab: {  	_ =	task [dreg:s7], $0x5FFFF  }
0xac: {  	[dreg:$0x1] =	wrdreg $0xFFFFFFFF  }
0xad: {  	[dreg:$0x0] =	wrdreg $0x60  }
0xae: {  	[dreg:$0x2] =	wrdreg s24  }
0xaf: {  	[dreg:$0x3] =	wrdreg s2  }
0xb0: {  	[dreg:$0x4] =	wrdreg $0x9  }
0xb1: {  	_ =	task.clear_ibuf [dreg:s7], $0x5FFFF;
	_ =	strace $0x90000046  }
0xb2: {  	s29 =	simm.s32 $0x9;
	_ =	strace $0x80000048  }
0xb3: {  	_ =	swait.ge [sflag:s29], $0x1  }
0xb4: {  	[sflag:s29] =	ssyncadd.s32 $0xFFFFFFFF  }
0xb5: {  	_ =	strace $0x90000048  }
0xb6: {  	_ =	sfence  }
0xb7: {  	s30 =	sld [smem:$0x0];
	_ =	sdelay $0x2  }
0xb8: {  	s31 =	sshll.u32 s1, $0xD;
	s1 =	sshrl.u32 s1, $0x2  }
0xb9: {  	s3 =	sand.u32 $0x4000, s31;
	s1 =	sadd.s32 s1, s30  }
0xba: {  	s0 =	sor.u32 s3, s0;
	s1 =	sshll.u32 s1, $0x11  }
0xbb: {  	s0 =	sor.u32 s1, s0  }
0xbc: {  	s0 =	sadd.s32 $0x8F2B, s0  }
0xbd: {  	[sflag:s0] =	ssyncadd.remote.s32 $0x1  }
0xbe: {  	_ =	sfence.sel $0xFFFF  }
0xbf: {  	[dreg:$0x0] =	wrdreg $0xFFFFFFFF;
	(pc) =	sbr.abs _section_cstart, $3  }
0xc0: {  	[dreg:$0x1] =	wrdreg $0xFFFFFFFF  }
0xc1: {  	_ =	task.clear_ibuf [dreg:s7], $0x2FFFF;
	_ =	strace $0x9FFFFFFF  }
0xc2: {  	(tm) =	ssettm $0x7FFFFFFF  }
0xc3: {  	_ =	shalt  }
tec
execute0_lowered:
.L_overlay_start_1:
0x0: {  	(tag) =	ssettag $0x1  }
0x1: {  	s5 =	rddreg [dreg:$0x0]  }
0x2: {  	s6 =	rddreg [dreg:$0x1]  }
0x3: {  	s0 =	rddreg [dreg:$0x2]  }
0x4: {  	s3 =	srdreg.scid;
	s1 =	stileid.u32;
	s2 =	simm.s32 $0x0  }
0x5: {  	s13 =	simm.s32 $0x2;
	s14 =	simm.s32 $0x3;
	s15 =	simm.s32 $0x5100  }
0x6: {  	s16 =	simm.s32 $0x80;
	s17 =	simm.s32 $0x0;
	s7 =	sand.u32 $0x1, s3  }
0x7: {  	s30 =	sshll.u32 s1, $0x1;
	[smem:$0x7FF] =	sst s2;
	s4 =	sadd.s32 $0x11200, s5  }
0x8: {  	s11 =	sshll.u32 s1, $0x10;
	s8 =	sor.u32 s7, s30;
	_ =	strace $0x80000047  }
0x9: {  	s10 =	ssub.s32 $0x2, s7;
	s11 =	sadd.s32 s11, s5;
	s7 =	sshll.u32 s7, $0xF  }
0xa: {  	s3 =	sshll.u32 s8, $0xB;
	s12 =	sshrl.u32 s10, $0x1;
	s8 =	sshll.u32 s8, $0x6  }
0xb: {  	s31 =	sadd.s32 s7, s11;
	s11 =	simm.s32 $0x5000;
	s9 =	sadd.s32 s3, s5  }
0xc: {  	s3 =	sadd.s32 $0x27BD600, s5;
	s10 =	ssub.s32 s10, s12;
	s6 =	sadd.s32 s6, s8  }
0xd: {  	s8 =	sadd.s32 $0x60800, s31;
	s12 =	simm.s32 $0x1;
	s5 =	sadd.s32 $0x1200, s9  }
0xe: {  	vm0 =	vmmov $0x3ff;
	v0 =	vlaneseq.u32;
	s7 =	smax.u32 s10, $0x1;
	s9 =	simm.s32 $0x4;
	s10 =	simm.s32 $0x4000  }
.LBB2_1:
0xf: {  	[tilespmem:s2], [sflag:$0x4] =	stream.linear.gather [hbm4b:s5+s2], $0x4000, $0x38;
	[tilespmem:$0x5300] =	vst v63  }
0x10: {  	_ =	swait.ge [sflag:s9], $0x4000  }
0x11: {  	[sflag:s9] =	ssyncset.done $0x0  }
0x12: {  	s18 =	simm.s32 $0x0;
	[sflag:s9] =	ssyncadd.s32 $0xFFFFC000  }
0x13: {  	[tilespmem:s10], [sflag:$0x1] =	stream.indirect.gather [hbm4b:s3+s16], $0x10, s2, s16, $0xb8;
	[tilespmem:$0x5300] =	vst v63  }
0x14: {  	s19 =	simm.s32 $0x80;
	s20 =	smov.u32 s8;
	s22 =	simm.s32 $0x0  }
0x15: {  	v1 =	vimm.f32 $0.0e+00;
	[tilespmem:s11], [sflag:$0x2] =	stream.indirect.gather [hbm4b:s4+s16], $0x1, s2, s16, $0xb8;
	[tilespmem:$0x5300] =	vst v63  }
.LBB2_2:
0x16: {  	p0 =	seq.s32 s22, $0x0  }
0x17: {  	s23 =	simm.s32 @!p0 $0x3  }
0x18: {  	p1 =	seq.s32 @!p0 s22, $0x7F;
	_ =	swait.ge @!p0 [sflag:s23], $0x800  }
0x19: {  	s21 =	sadd.s32 $0x1, s22;
	p1 =	por p0, !p1;
	[sflag:s23] =	ssyncset.done @!p0 $0x0  }
0x1a: {  	[sflag:s23] =	ssyncadd.s32 @!p0 $0xFFFFF800;
	s23 =	sand.u32 @p1 $0x1, s21  }
0x1b: {  	s24 =	sshll.u32 @p1 s23, $0xB  }
0x1c: {  	s23 =	sshll.u32 @p1 s23, $0x7;
	s24 =	sor.u32 @p1 $0x4000, s24  }
0x1d: {  	[tilespmem:s24], [sflag:$0x1] =	stream.indirect.gather @p1 [hbm4b:s3+s16], $0x10, s19, s16, $0xb8;
	[tilespmem:$0x5300] =	vst v63  }
0x1e: {  	s23 =	sor.u32 @p1 $0x5000, s23  }
0x1f: {  	[tilespmem:s23], [sflag:$0x2] =	stream.indirect.gather @p1 [hbm4b:s4+s16], $0x1, s19, s16, $0xb8;
	[tilespmem:$0x5300] =	vst v63  }
0x20: {  	_ =	swait.ge [sflag:s12], $0x800  }
0x21: {  	[sflag:s12] =	ssyncset.done $0x0  }
0x22: {  	[sflag:s12] =	ssyncadd.s32 $0xFFFFF800  }
0x23: {  	s30 =	sand.u32 $0x1, s22;
	_ =	swait.ge [sflag:s13], $0x80  }
0x24: {  	s31 =	sshll.u32 s30, $0xB;
	[sflag:s13] =	ssyncset.done $0x0  }
0x25: {  	s24 =	sor.u32 $0x4000, s31;
	s23 =	sshll.u32 s30, $0x7;
	[sflag:s13] =	ssyncadd.s32 $0xFFFFFF80  }
0x26: {  	[hbm4b:s20+s2] =	stream.linear.scatter [tilespmem:s24], [sflag:$0x3], $0x800, $0x38;
	[tilespmem:$0x5300] =	vst v63  }
0x27: {  	v2 =	vld [tilespmem:s23+$0x5000]  }
0x28: {  	v3 =	vld [tilespmem:s23+$0x5010]  }
0x29: {  	v4 =	vld [tilespmem:s23+$0x5020]  }
0x2a: {  	v5 =	vld [tilespmem:s23+$0x5030]  }
0x2b: {  	v6 =	vld [tilespmem:s23+$0x5040]  }
0x2c: {  	v7 =	vld [tilespmem:s23+$0x5050]  }
0x2d: {  	v3 =	vnsel vm0, $0x0, v3;
	(xrf2) =	vadd.scan.msk.f32 $0xffff, v2;
	v2 =	vld [tilespmem:s23+$0x5060]  }
0x2e: {  	(xrf2) =	vadd.scan.msk.f32 $0xffff, v3;
	v3 =	vld [tilespmem:s23+$0x5070]  }
0x2f: {  	v62 =	vnsel vm0, $0x0, v5;
	(xrf2) =	vadd.scan.msk.f32 $0xffff, v4  }
0x30: {  	(xrf2) =	vadd.scan.msk.f32 $0xffff, v62  }
0x31: {  	v63 =	vnsel vm0, $0x0, v7;
	(xrf2) =	vadd.scan.msk.f32 $0xffff, v6  }
0x32: {  	(xrf2) =	vadd.scan.msk.f32 $0xffff, v63  }
0x33: {  	v3 =	vnsel vm0, $0x0, v3;
	(xrf2) =	vadd.scan.msk.f32 $0xffff, v2  }
0x34: {  	(xrf2) =	vadd.scan.msk.f32 $0xffff, v3;
	_ =	sdelay $0x2  }
0x35: {  	v2, _, _ =	vpop (xrf2)  }
0x36: {  	v3, _, _ =	vpop (xrf2);
	(v2sf) =	vpush v2, $0xF  }
0x37: {  	v2, _, _ =	vpop (xrf2);
	(v2sf) =	vpush v3, $0xF  }
0x38: {  	v3, _, _ =	vpop (xrf2);
	(v2sf) =	vpush v2, $0xF  }
0x39: {  	v2, _, _ =	vpop (xrf2);
	(v2sf) =	vpush v3, $0xF  }
0x3a: {  	v3, _, _ =	vpop (xrf2);
	(v2sf) =	vpush v2, $0xF  }
0x3b: {  	v2, _, _ =	vpop (xrf2);
	(v2sf) =	vpush v3, $0xF  }
0x3c: {  	(v2sf) =	vpush v2, $0xF;
	v2, _, _ =	vpop (xrf2)  }
0x3d: {  	(v2sf) =	vpush v2, $0xF;
	_ =	sdelay $0x7  }
0x3e: {  	s22 =	sand.u32 $0x3, s22;
	s24 =	spop (v2sf)  }
0x3f: {  	s30 =	sshll.u32 s22, $0x2;
	s29 =	spop (v2sf)  }
0x40: {  	s31 =	sor.u32 $0x1, s30;
	s25 =	spop (v2sf)  }
0x41: {  	v3 =	vmov s31;
	s31 =	sshllo.u32 s22, $0x2;
	s26 =	spop (v2sf)  }
0x42: {  	s23 =	sadd.f32 s29, s24;
	s28 =	spop (v2sf)  }
0x43: {  	p1 =	sne.s32 s21, $0x80;
	v2 =	vmov s30;
	s25 =	sadd.f32 s26, s25;
	s29 =	spop (v2sf)  }
0x44: {  	vm1 =	veq.s32 v2, v0;
	s24 =	sor.u32 $0x2, s30;
	s26 =	sadd.f32 s29, s28;
	s29 =	spop (v2sf)  }
.Ltmp0:
0x45: {  	v2 =	vmov s24;
	v1 =	vsel vm1, s23, v1;
	vm1 =	veq.s32 v3, v0;
	s30 =	spop (v2sf);
	(pc) =	sbr.rel @p1 .LBB2_2-.Ltmp0, $4  }
0x46: {  	p0 =	sne.s32 s22, $0x3;
	v1 =	vsel vm1, s25, v1;
	vm1 =	veq.s32 v2, v0;
	v2 =	vmov s31;
	s23 =	sadd.f32 s30, s29  }
0x47: {  	s22 =	sand.u32 @!p0 $0x7C0, s18;
	v1 =	vsel vm1, s26, v1;
	vm1 =	veq.s32 v2, v0  }
0x48: {  	s19 =	sadd.s32 $0x80, s19;
	s22 =	sshrl.u32 @!p0 s22, $0x2;
	v1 =	vsel vm1, s23, v1  }
0x49: {  	s20 =	sadd.s32 $0x100, s20;
	s18 =	sadd.s32 $0x10, s18;
	[tilespmem:s22+$0x5100] =	vst @!p0 v1;
	s22 =	smov.u32 s21  }
0x4a: {  	_ =	swait.ge [sflag:s14], $0x800;
	s17 =	sadd.s32 $0x1, s17  }
0x4b: {  	[sflag:s14] =	ssyncset.done $0x0;
	p0 =	sne.s32 s17, s7  }
.Ltmp1:
0x4c: {  	[sflag:s14] =	ssyncadd.s32 $0xFFFFF800;
	(pc) =	sbr.rel @p0 .LBB2_1-.Ltmp1, $4  }
0x4d: {  	[hbm4b:s6+s2] =	stream.linear.scatter [tilespmem:s15], [sflag:$0x4], $0x200, $0x38;
	[tilespmem:$0x5300] =	vst v63  }
0x4e: {  	_ =	swait.ge [sflag:s9], $0x200  }
0x4f: {  	[sflag:s9] =	ssyncset.done $0x0  }
0x50: {  	[sflag:s9] =	ssyncadd.s32 $0xFFFFFE00  }
0x51: {  	_ =	sfence.sel $0x180000  }
0x52: {  	[bflag:$0x0] =	sbarrier.arrive $0xFFFF  }
0x53: {  	p0 =	sne.s32 s1, $0x0;
	_ =	strace $0x90000047  }
0x54: {  	s0 =	sadd.s32 @!p0 $0x100000, s0;
	[bflag:$0x2] =	sbarrier.arrive $0xFFFF  }
0x55: {  	[sflag:s0] =	ssyncadd.tile.s32 @!p0 $0x1;
	_ =	shalt  }
.Lfunc_end2:
_tile_overlayer_lowered:
.L_overlay_start_2:
0x56: {  	(tag) =	ssettag $0x2  }
0x57: {  	s0 =	rddreg [dreg:$0x0];
	s2 =	stileid.u32  }
0x58: {  	s1 =	rddreg [dreg:$0x1];
	p0 =	sne.s32 s2, $0x0  }
0x59: {  	s3 =	rddreg [dreg:$0x2];
	[bflag:$0x3] =	sbarrier.arrive $0xFFFF;
	s2 =	simm.s32 @!p0 $0x1C04  }
0x5a: {  	[timem:s3], [sflag:s2] =	dma.local @!p0 [hbm:s0], s1  }
0x5b: {  	s0 =	simm.s32 @!p0 $0x4  }
0x5c: {  	_ =	swait.ge @!p0 [sflag:s0], s1  }
0x5d: {  	s1 =	ssub.s32 @!p0 $0x0, s1;
	[sflag:s0] =	ssyncset.done @!p0 $0x0  }
0x5e: {  	[sflag:s0] =	ssyncadd.s32 @!p0 s1  }
0x5f: {  	[bflag:$0x3] =	sbarrier.arrive $0xFFFF  }
0x60: {  	_ =	shalt  }

</sc_bundles>
